<compile_context>
chip_gen: v7x
topology: tpu7x:2x2x1
jax: 0.10.2.dev20260603
libtpu: 0.0.44.dev20260713+nightly
codegen_flags: <defaults>
</compile_context>

<pallas_src>
import jax
import jax.numpy as jnp
from jax.experimental import pallas as pl


_BB = 8


def _ln(x, g, b, eps=1e-5):
    mu = jnp.mean(x, axis=-1, keepdims=True)
    xc = x - mu
    var = jnp.mean(xc * xc, axis=-1, keepdims=True)
    return xc * jax.lax.rsqrt(var + eps) * g + b


def _make_body(BB, A, C, D):
    BBA = BB * A
    BBC = BB * C
    f32 = jnp.float32

    def mm(x, w):
        return jax.lax.dot_general(x, w, (((1,), (0,)), ((), ())),
                                   preferred_element_type=f32)

    def body(gidx_ref, fine_ref, coarse_ref, glob_ref,
             W_f2c_ref, W_c2f_ref, W_gate_ref, W_gi_ref,
             b_f2c_ref, g_f2c_ref, be_f2c_ref,
             b_c2f_ref, g_c2f_ref, be_c2f_ref,
             b_gate_ref, b_gi_ref, g_gi_ref, be_gi_ref,
             fine_out_ref, coarse_out_ref):
        Wf2c = W_f2c_ref[...]
        Wc2f = W_c2f_ref[...]
        Wg1 = W_gate_ref[:D, :]
        Wg2 = W_gate_ref[D:, :]
        Wgi1 = W_gi_ref[:D, :]
        Wgi2 = W_gi_ref[D:, :]

        fine = fine_ref[...]
        coarse = coarse_ref[...]
        glob = glob_ref[...]
        gidx = gidx_ref[0]

        seg_iota = jax.lax.broadcasted_iota(jnp.int32, (BBC, BBA), 0)
        onehotT = (gidx == seg_iota).astype(f32)

        seg = mm(onehotT, fine)
        counts = jnp.sum(onehotT, axis=1, keepdims=True)
        cff = seg / jnp.maximum(counts, 1.0)
        cff = jax.nn.relu(_ln(mm(cff, Wf2c) + b_f2c_ref[...],
                              g_f2c_ref[...], be_f2c_ref[...]))

        ffc = jax.lax.dot_general(onehotT, coarse,
                                  (((0,), (0,)), ((), ())),
                                  preferred_element_type=f32)
        ffc = jax.nn.relu(_ln(mm(ffc, Wc2f) + b_c2f_ref[...],
                              g_c2f_ref[...], be_c2f_ref[...]))

        b_gate = b_gate_ref[...]
        fg = jax.nn.sigmoid(mm(fine, Wg1) + mm(ffc, Wg2) + b_gate)
        fine_upd = fg * fine + (1.0 - fg) * ffc

        cg = jax.nn.sigmoid(mm(coarse, Wg1) + mm(cff, Wg2) + b_gate)
        coarse_upd = cg * coarse + (1.0 - cg) * cff

        b_gi = b_gi_ref[...]
        g_gi = g_gi_ref[...]
        be_gi = be_gi_ref[...]
        fwg = jax.nn.relu(_ln(mm(fine_upd, Wgi1) + mm(glob, Wgi2) + b_gi,
                              g_gi, be_gi))
        fine_out_ref[...] = fine_upd + 0.1 * fwg

        meanmat = (jax.lax.broadcasted_iota(jnp.int32, (BB, BBA), 1) // A ==
                   jax.lax.broadcasted_iota(jnp.int32, (BB, BBA), 0)
                   ).astype(f32) * (1.0 / A)
        gterm = mm(mm(meanmat, glob), Wgi2)
        expmat = (jax.lax.broadcasted_iota(jnp.int32, (BBC, BB), 0) // C ==
                  jax.lax.broadcasted_iota(jnp.int32, (BBC, BB), 1)
                  ).astype(f32)
        gterm_x = mm(expmat, gterm)

        cwg = jax.nn.relu(_ln(mm(coarse_upd, Wgi1) + gterm_x + b_gi,
                              g_gi, be_gi))
        coarse_out_ref[...] = coarse_upd + 0.1 * cwg

    return body


def _specs(B, A, C, D, BB):
    grid = (B // BB,)

    def blk(i):
        return (i, 0)

    def rep2(i):
        return (0, 0)

    in_specs = [
        pl.BlockSpec((1, 1, BB * A), lambda i: (i, 0, 0)),
        pl.BlockSpec((BB * A, D), blk),
        pl.BlockSpec((BB * C, D), blk),
        pl.BlockSpec((BB * A, D), blk),
        pl.BlockSpec((D, D), rep2),
        pl.BlockSpec((D, D), rep2),
        pl.BlockSpec((2 * D, D), rep2),
        pl.BlockSpec((2 * D, D), rep2),
    ] + [pl.BlockSpec((1, D), rep2)] * 10
    out_specs = [
        pl.BlockSpec((BB * A, D), blk),
        pl.BlockSpec((BB * C, D), blk),
    ]
    return grid, in_specs, out_specs


def kernel(fine_features, coarse_features, global_features,
           W_f2c, b_f2c, g_f2c, be_f2c,
           W_c2f, b_c2f, g_c2f, be_c2f,
           W_gate, b_gate, W_gi, b_gi, g_gi, be_gi, atom_to_coarse):
    B, A, D = fine_features.shape
    C = coarse_features.shape[1]
    BB = _BB
    grid, in_specs, out_specs = _specs(B, A, C, D, BB)
    vecs = [b_f2c, g_f2c, be_f2c, b_c2f, g_c2f, be_c2f,
            b_gate, b_gi, g_gi, be_gi]
    vecs = [v.reshape(1, D) for v in vecs]
    offs = (jnp.arange(B, dtype=jnp.int32) % BB) * C
    gidx = (atom_to_coarse.astype(jnp.int32) + offs[:, None]
            ).reshape(B // BB, 1, BB * A)
    out_shape = [
        jax.ShapeDtypeStruct((B * A, D), fine_features.dtype),
        jax.ShapeDtypeStruct((B * C, D), coarse_features.dtype),
    ]
    fine_out, coarse_out = pl.pallas_call(
        _make_body(BB, A, C, D),
        grid=grid,
        in_specs=in_specs,
        out_specs=out_specs,
        out_shape=out_shape,
    )(gidx, fine_features.reshape(B * A, D),
      coarse_features.reshape(B * C, D),
      global_features.reshape(B * A, D),
      W_f2c, W_c2f, W_gate, W_gi, *vecs)
    return (fine_out.reshape(B, A, D), coarse_out.reshape(B, C, D))

# --- scband reference (transcript-rebuilt; emitter-appended) ---
"""Pipeline reference for scband-multigrain-molecular-encoder-11957188952169 (READ-ONLY COPY).

The authoritative reference and input builder live on the scoring server;
editing this copy changes nothing except your own understanding.
"""

import jax, jax.numpy as jnp
import numpy as np


def _ln(x, g, b, eps=1e-5):
    mu = jnp.mean(x, axis=-1, keepdims=True)
    var = jnp.var(x, axis=-1, keepdims=True)
    return (x - mu) / jnp.sqrt(var + eps) * g + b


def setup_inputs(seed: int = 0):
    key = jax.random.key(seed)
    ks = jax.random.split(key, 20)
    B, A, C, D = 1024, 150, 50, 128
    s = 0.02
    inp = {}
    inp['fine_features'] = jax.random.normal(ks[0], (B, A, D), jnp.float32)
    inp['coarse_features'] = jax.random.normal(ks[1], (B, C, D), jnp.float32)
    inp['global_features'] = jax.random.normal(ks[2], (B, A, D), jnp.float32)
    inp['W_f2c'] = jax.random.normal(ks[3], (D, D), jnp.float32) * s
    inp['b_f2c'] = jnp.zeros((D,), jnp.float32)
    inp['g_f2c'] = jnp.ones((D,), jnp.float32)
    inp['be_f2c'] = jnp.zeros((D,), jnp.float32)
    inp['W_c2f'] = jax.random.normal(ks[4], (D, D), jnp.float32) * s
    inp['b_c2f'] = jnp.zeros((D,), jnp.float32)
    inp['g_c2f'] = jnp.ones((D,), jnp.float32)
    inp['be_c2f'] = jnp.zeros((D,), jnp.float32)
    inp['W_gate'] = jax.random.normal(ks[5], (2 * D, D), jnp.float32) * s
    inp['b_gate'] = jnp.zeros((D,), jnp.float32)
    inp['W_gi'] = jax.random.normal(ks[6], (2 * D, D), jnp.float32) * s
    inp['b_gi'] = jnp.zeros((D,), jnp.float32)
    inp['g_gi'] = jnp.ones((D,), jnp.float32)
    inp['be_gi'] = jnp.zeros((D,), jnp.float32)
    inp['atom_to_coarse'] = jax.random.randint(ks[7], (B, A), 0, C)
    return inp


def reference(fine_features, coarse_features, global_features, W_f2c, b_f2c, g_f2c, be_f2c, W_c2f, b_c2f, g_c2f, be_c2f, W_gate, b_gate, W_gi, b_gi, g_gi, be_gi, atom_to_coarse):
    B, A, D = fine_features.shape
    C = coarse_features.shape[1]
    valid = (atom_to_coarse >= 0) & (atom_to_coarse < C)
    idx = jnp.clip(atom_to_coarse, 0, C - 1)
    vmask = valid.astype(fine_features.dtype)[..., None]
    seg_sum = jax.vmap(lambda d, i: jax.ops.segment_sum(d, i, num_segments=C))(fine_features * vmask, idx)
    counts = jax.vmap(lambda w, i: jax.ops.segment_sum(w, i, num_segments=C))(valid.astype(jnp.float32), idx)
    counts = jnp.clip(counts, 1.0, None)
    cff = seg_sum / counts[..., None]
    cff = jax.nn.relu(_ln(cff @ W_f2c + b_f2c, g_f2c, be_f2c))
    ffc = jnp.take_along_axis(coarse_features, idx[:, :, None], axis=1) * vmask
    ffc = jax.nn.relu(_ln(ffc @ W_c2f + b_c2f, g_c2f, be_c2f))
    fg = jax.nn.sigmoid(jnp.concatenate([fine_features, ffc], axis=-1) @ W_gate + b_gate)
    fine_updated = fg * fine_features + (1 - fg) * ffc
    cg = jax.nn.sigmoid(jnp.concatenate([coarse_features, cff], axis=-1) @ W_gate + b_gate)
    coarse_updated = cg * coarse_features + (1 - cg) * cff
    fwg = jax.nn.relu(_ln(jnp.concatenate([fine_updated, global_features], axis=-1) @ W_gi + b_gi, g_gi, be_gi))
    fine_updated = fine_updated + 0.1 * fwg
    gc = jnp.broadcast_to(jnp.mean(global_features, axis=1, keepdims=True), (B, C, D))
    cwg = jax.nn.relu(_ln(jnp.concatenate([coarse_updated, gc], axis=-1) @ W_gi + b_gi, g_gi, be_gi))
    coarse_updated = coarse_updated + 0.1 * cwg
    return (fine_updated, coarse_updated)

if __name__ == "__main__":
    import jax
    _d = setup_inputs()
    print(jax.jit(kernel)(*tuple(_d.values())))

</pallas_src>

<mosaic_0001>
module attributes {stable_mosaic.version = 14 : i64} {
  func.func @body(%arg0: i32, %arg1: memref<1x1x1200xi32, #tpu.memory_space<vmem>>, %arg2: memref<1200x128xf32, #tpu.memory_space<vmem>>, %arg3: memref<400x128xf32, #tpu.memory_space<vmem>>, %arg4: memref<1200x128xf32, #tpu.memory_space<vmem>>, %arg5: memref<128x128xf32, #tpu.memory_space<vmem>>, %arg6: memref<128x128xf32, #tpu.memory_space<vmem>>, %arg7: memref<256x128xf32, #tpu.memory_space<vmem>>, %arg8: memref<256x128xf32, #tpu.memory_space<vmem>>, %arg9: memref<1x128xf32, #tpu.memory_space<vmem>>, %arg10: memref<1x128xf32, #tpu.memory_space<vmem>>, %arg11: memref<1x128xf32, #tpu.memory_space<vmem>>, %arg12: memref<1x128xf32, #tpu.memory_space<vmem>>, %arg13: memref<1x128xf32, #tpu.memory_space<vmem>>, %arg14: memref<1x128xf32, #tpu.memory_space<vmem>>, %arg15: memref<1x128xf32, #tpu.memory_space<vmem>>, %arg16: memref<1x128xf32, #tpu.memory_space<vmem>>, %arg17: memref<1x128xf32, #tpu.memory_space<vmem>>, %arg18: memref<1x128xf32, #tpu.memory_space<vmem>>, %arg19: memref<1200x128xf32, #tpu.memory_space<vmem>>, %arg20: memref<400x128xf32, #tpu.memory_space<vmem>>) attributes {dimension_semantics = [#tpu.dimension_semantics<arbitrary>], iteration_bounds = array<i64: 128>, scalar_prefetch = 0 : i64, scratch_operands = 0 : i64, tpu.core_type = #tpu.core_type<tc>, window_params = [{transform_indices = @transform_0, window_bounds = array<i64: 1, 1, 1200>}, {transform_indices = @transform_1, window_bounds = array<i64: 1200, 128>}, {transform_indices = @transform_2, window_bounds = array<i64: 400, 128>}, {transform_indices = @transform_3, window_bounds = array<i64: 1200, 128>}, {pipeline_mode = #tpu.pipeline_mode<synchronous>, transform_indices = @transform_4, window_bounds = array<i64: 128, 128>}, {pipeline_mode = #tpu.pipeline_mode<synchronous>, transform_indices = @transform_5, window_bounds = array<i64: 128, 128>}, {pipeline_mode = #tpu.pipeline_mode<synchronous>, transform_indices = @transform_6, window_bounds = array<i64: 256, 128>}, {pipeline_mode = #tpu.pipeline_mode<synchronous>, transform_indices = @transform_7, window_bounds = array<i64: 256, 128>}, {pipeline_mode = #tpu.pipeline_mode<synchronous>, transform_indices = @transform_8, window_bounds = array<i64: 1, 128>}, {pipeline_mode = #tpu.pipeline_mode<synchronous>, transform_indices = @transform_9, window_bounds = array<i64: 1, 128>}, {pipeline_mode = #tpu.pipeline_mode<synchronous>, transform_indices = @transform_10, window_bounds = array<i64: 1, 128>}, {pipeline_mode = #tpu.pipeline_mode<synchronous>, transform_indices = @transform_11, window_bounds = array<i64: 1, 128>}, {pipeline_mode = #tpu.pipeline_mode<synchronous>, transform_indices = @transform_12, window_bounds = array<i64: 1, 128>}, {pipeline_mode = #tpu.pipeline_mode<synchronous>, transform_indices = @transform_13, window_bounds = array<i64: 1, 128>}, {pipeline_mode = #tpu.pipeline_mode<synchronous>, transform_indices = @transform_14, window_bounds = array<i64: 1, 128>}, {pipeline_mode = #tpu.pipeline_mode<synchronous>, transform_indices = @transform_15, window_bounds = array<i64: 1, 128>}, {pipeline_mode = #tpu.pipeline_mode<synchronous>, transform_indices = @transform_16, window_bounds = array<i64: 1, 128>}, {pipeline_mode = #tpu.pipeline_mode<synchronous>, transform_indices = @transform_17, window_bounds = array<i64: 1, 128>}, {transform_indices = @transform_18, window_bounds = array<i64: 1200, 128>}, {transform_indices = @transform_19, window_bounds = array<i64: 400, 128>}]} {
    %get3A = arith.constant 0 : index
    %get3A_0 = arith.constant 0 : index
    %get3A_1 = vector.load %arg5[%get3A, %get3A_0] : memref<128x128xf32, #tpu.memory_space<vmem>>, vector<128x128xf32>
    %get3A_2 = arith.constant 0 : index
    %get3A_3 = arith.constant 0 : index
    %get3A_4 = vector.load %arg6[%get3A_2, %get3A_3] : memref<128x128xf32, #tpu.memory_space<vmem>>, vector<128x128xf32>
    %get3A_5 = arith.constant 0 : index
    %get3A_6 = arith.constant 0 : index
    %get3A_7 = vector.load %arg7[%get3A_5, %get3A_6] : memref<256x128xf32, #tpu.memory_space<vmem>>, vector<128x128xf32>
    %get3A_8 = arith.constant 128 : index
    %get3A_9 = arith.constant 0 : index
    %get3A_10 = vector.load %arg7[%get3A_8, %get3A_9] : memref<256x128xf32, #tpu.memory_space<vmem>>, vector<128x128xf32>
    %get3A_11 = arith.constant 0 : index
    %get3A_12 = arith.constant 0 : index
    %get3A_13 = vector.load %arg8[%get3A_11, %get3A_12] : memref<256x128xf32, #tpu.memory_space<vmem>>, vector<128x128xf32>
    %get3A_14 = arith.constant 128 : index
    %get3A_15 = arith.constant 0 : index
    %get3A_16 = vector.load %arg8[%get3A_14, %get3A_15] : memref<256x128xf32, #tpu.memory_space<vmem>>, vector<128x128xf32>
    %get3A_17 = arith.constant 0 : index
    %get3A_18 = arith.constant 0 : index
    %get3A_19 = vector.load %arg2[%get3A_17, %get3A_18] : memref<1200x128xf32, #tpu.memory_space<vmem>>, vector<1200x128xf32>
    %get3A_20 = arith.constant 0 : index
    %get3A_21 = arith.constant 0 : index
    %get3A_22 = vector.load %arg3[%get3A_20, %get3A_21] : memref<400x128xf32, #tpu.memory_space<vmem>>, vector<400x128xf32>
    %get3A_23 = arith.constant 0 : index
    %get3A_24 = arith.constant 0 : index
    %get3A_25 = vector.load %arg4[%get3A_23, %get3A_24] : memref<1200x128xf32, #tpu.memory_space<vmem>>, vector<1200x128xf32>
    %get3A_26 = arith.constant 0 : index
    %get3A_27 = arith.constant 0 : index
    %get3A_28 = arith.constant 0 : index
    %get3A_29 = vector.load %arg1[%get3A_26, %get3A_27, %get3A_28] : memref<1x1x1200xi32, #tpu.memory_space<vmem>>, vector<1x1x1200xi32>
    %get3A_30 = vector.shape_cast %get3A_29 : vector<1x1x1200xi32> to vector<1x1200xi32>
    %iota3A = tpu.iota {dimensions = array<i32: 0>} : vector<400x1200xi32>
    %eq3A = vector.broadcast %get3A_30 : vector<1x1200xi32> to vector<400x1200xi32>
    %eq3A_31 = arith.cmpi eq, %eq3A, %iota3A : vector<400x1200xi32>
    %convert_element_type3A = arith.extui %eq3A_31 : vector<400x1200xi1> to vector<400x1200xi32>
    %convert_element_type3A_32 = arith.sitofp %convert_element_type3A : vector<400x1200xi32> to vector<400x1200xf32>
    %dot_general3A = arith.constant dense<0.000000e+00> : vector<400x128xf32>
    %dot_general3A_33 = tpu.matmul %convert_element_type3A_32, %get3A_19, %dot_general3A {dimension_numbers = #tpu.dot_dimension_numbers<[1], [0], [0], [1], [0, 0, 1, 1], [], []>, transpose_lhs_hint = false} : vector<400x1200xf32>, vector<1200x128xf32>, vector<400x128xf32> -> vector<400x128xf32>
    %reduce_sum3A = arith.constant dense<0.000000e+00> : vector<400xf32>
    %reduce_sum3A_34 = vector.multi_reduction <add>, %convert_element_type3A_32, %reduce_sum3A [1] : vector<400x1200xf32> to vector<400xf32>
    %broadcast_in_dim3A = vector.shape_cast %reduce_sum3A_34 : vector<400xf32> to vector<400x1xf32>
    %max3A = arith.constant 1.000000e+00 : f32
    %max3A_35 = vector.broadcast %max3A : f32 to vector<400x1xf32>
    %max3A_36 = arith.maximumf %broadcast_in_dim3A, %max3A_35 : vector<400x1xf32>
    %div3A = vector.broadcast %max3A_36 : vector<400x1xf32> to vector<400x128xf32>
    %div3A_37 = arith.divf %dot_general3A_33, %div3A : vector<400x128xf32>
    %dot_general3A_38 = arith.constant dense<0.000000e+00> : vector<400x128xf32>
    %dot_general3A_39 = tpu.matmul %div3A_37, %get3A_1, %dot_general3A_38 {dimension_numbers = #tpu.dot_dimension_numbers<[1], [0], [0], [1], [0, 0, 1, 1], [], []>, transpose_lhs_hint = false} : vector<400x128xf32>, vector<128x128xf32>, vector<400x128xf32> -> vector<400x128xf32>
    %get3A_40 = arith.constant 0 : index
    %get3A_41 = arith.constant 0 : index
    %get3A_42 = vector.load %arg9[%get3A_40, %get3A_41] : memref<1x128xf32, #tpu.memory_space<vmem>>, vector<1x128xf32>
    %add3A = vector.broadcast %get3A_42 : vector<1x128xf32> to vector<400x128xf32>
    %add3A_43 = arith.addf %dot_general3A_39, %add3A : vector<400x128xf32>
    %get3A_44 = arith.constant 0 : index
    %get3A_45 = arith.constant 0 : index
    %get3A_46 = vector.load %arg10[%get3A_44, %get3A_45] : memref<1x128xf32, #tpu.memory_space<vmem>>, vector<1x128xf32>
    %get3A_47 = arith.constant 0 : index
    %get3A_48 = arith.constant 0 : index
    %get3A_49 = vector.load %arg11[%get3A_47, %get3A_48] : memref<1x128xf32, #tpu.memory_space<vmem>>, vector<1x128xf32>
    %reduce_sum3A_50 = arith.constant dense<0.000000e+00> : vector<400xf32>
    %reduce_sum3A_51 = vector.multi_reduction <add>, %add3A_43, %reduce_sum3A_50 [1] : vector<400x128xf32> to vector<400xf32>
    %broadcast_in_dim3A_52 = vector.shape_cast %reduce_sum3A_51 : vector<400xf32> to vector<400x1xf32>
    %div3A_53 = arith.constant 1.280000e+02 : f32
    %div3A_54 = vector.broadcast %div3A_53 : f32 to vector<400x1xf32>
    %div3A_55 = arith.divf %broadcast_in_dim3A_52, %div3A_54 : vector<400x1xf32>
    %jit3A = arith.constant 0 : i32
    %reduce_sum3A_56 = arith.constant dense<0.000000e+00> : vector<400xf32>
    %reduce_sum3A_57 = vector.multi_reduction <add>, %add3A_43, %reduce_sum3A_56 [1] : vector<400x128xf32> to vector<400xf32>
    %broadcast_in_dim3A_58 = vector.shape_cast %reduce_sum3A_57 : vector<400xf32> to vector<400x1xf32>
    %div3A_59 = arith.constant 1.280000e+02 : f32
    %div3A_60 = vector.broadcast %div3A_59 : f32 to vector<400x1xf32>
    %div3A_61 = arith.divf %broadcast_in_dim3A_58, %div3A_60 : vector<400x1xf32>
    %sub3A = vector.broadcast %div3A_61 : vector<400x1xf32> to vector<400x128xf32>
    %sub3A_62 = arith.subf %add3A_43, %sub3A : vector<400x128xf32>
    %square3A = arith.mulf %sub3A_62, %sub3A_62 : vector<400x128xf32>
    %convert_element_type3A_63 = arith.sitofp %jit3A : i32 to f32
    %sub3A_64 = arith.constant 1.280000e+02 : f32
    %sub3A_65 = arith.subf %sub3A_64, %convert_element_type3A_63 : f32
    %reduce_sum3A_66 = arith.constant dense<0.000000e+00> : vector<400xf32>
    %reduce_sum3A_67 = vector.multi_reduction <add>, %square3A, %reduce_sum3A_66 [1] : vector<400x128xf32> to vector<400xf32>
    %broadcast_in_dim3A_68 = vector.shape_cast %reduce_sum3A_67 : vector<400xf32> to vector<400x1xf32>
    %div3A_69 = vector.broadcast %sub3A_65 : f32 to vector<400x1xf32>
    %div3A_70 = arith.divf %broadcast_in_dim3A_68, %div3A_69 : vector<400x1xf32>
    %gt3A = arith.constant 0.000000e+00 : f32
    %gt3A_71 = arith.cmpf ogt, %sub3A_65, %gt3A : f32
    %jit3A_72 = arith.constant 0x7FC00000 : f32
    %broadcast_in_dim3A_73 = vector.broadcast %jit3A_72 : f32 to vector<400x1xf32>
    %select_n3A = arith.select %gt3A_71, %div3A_70, %broadcast_in_dim3A_73 : vector<400x1xf32>
    %sub3A_74 = vector.broadcast %div3A_55 : vector<400x1xf32> to vector<400x128xf32>
    %sub3A_75 = arith.subf %add3A_43, %sub3A_74 : vector<400x128xf32>
    %add3A_76 = arith.constant 9.99999974E-6 : f32
    %add3A_77 = vector.broadcast %add3A_76 : f32 to vector<400x1xf32>
    %add3A_78 = arith.addf %select_n3A, %add3A_77 : vector<400x1xf32>
    %sqrt3A = math.sqrt %add3A_78 : vector<400x1xf32>
    %div3A_79 = vector.broadcast %sqrt3A : vector<400x1xf32> to vector<400x128xf32>
    %div3A_80 = arith.divf %sub3A_75, %div3A_79 : vector<400x128xf32>
    %mul3A = vector.broadcast %get3A_46 : vector<1x128xf32> to vector<400x128xf32>
    %mul3A_81 = arith.mulf %div3A_80, %mul3A : vector<400x128xf32>
    %add3A_82 = vector.broadcast %get3A_49 : vector<1x128xf32> to vector<400x128xf32>
    %add3A_83 = arith.addf %mul3A_81, %add3A_82 : vector<400x128xf32>
    %max3A_84 = arith.constant 0.000000e+00 : f32
    %max3A_85 = vector.broadcast %max3A_84 : f32 to vector<400x128xf32>
    %max3A_86 = arith.maximumf %add3A_83, %max3A_85 : vector<400x128xf32>
    %dot_general3A_87 = arith.constant dense<0.000000e+00> : vector<1200x128xf32>
    %dot_general3A_88 = tpu.matmul %convert_element_type3A_32, %get3A_22, %dot_general3A_87 {dimension_numbers = #tpu.dot_dimension_numbers<[0], [0], [1], [1], [0, 1, 1, 1], [], []>, transpose_lhs_hint = false} : vector<400x1200xf32>, vector<400x128xf32>, vector<1200x128xf32> -> vector<1200x128xf32>
    %dot_general3A_89 = arith.constant dense<0.000000e+00> : vector<1200x128xf32>
    %dot_general3A_90 = tpu.matmul %dot_general3A_88, %get3A_4, %dot_general3A_89 {dimension_numbers = #tpu.dot_dimension_numbers<[1], [0], [0], [1], [0, 0, 1, 1], [], []>, transpose_lhs_hint = false} : vector<1200x128xf32>, vector<128x128xf32>, vector<1200x128xf32> -> vector<1200x128xf32>
    %get3A_91 = arith.constant 0 : index
    %get3A_92 = arith.constant 0 : index
    %get3A_93 = vector.load %arg12[%get3A_91, %get3A_92] : memref<1x128xf32, #tpu.memory_space<vmem>>, vector<1x128xf32>
    %add3A_94 = vector.broadcast %get3A_93 : vector<1x128xf32> to vector<1200x128xf32>
    %add3A_95 = arith.addf %dot_general3A_90, %add3A_94 : vector<1200x128xf32>
    %get3A_96 = arith.constant 0 : index
    %get3A_97 = arith.constant 0 : index
    %get3A_98 = vector.load %arg13[%get3A_96, %get3A_97] : memref<1x128xf32, #tpu.memory_space<vmem>>, vector<1x128xf32>
    %get3A_99 = arith.constant 0 : index
    %get3A_100 = arith.constant 0 : index
    %get3A_101 = vector.load %arg14[%get3A_99, %get3A_100] : memref<1x128xf32, #tpu.memory_space<vmem>>, vector<1x128xf32>
    %reduce_sum3A_102 = arith.constant dense<0.000000e+00> : vector<1200xf32>
    %reduce_sum3A_103 = vector.multi_reduction <add>, %add3A_95, %reduce_sum3A_102 [1] : vector<1200x128xf32> to vector<1200xf32>
    %broadcast_in_dim3A_104 = vector.shape_cast %reduce_sum3A_103 : vector<1200xf32> to vector<1200x1xf32>
    %div3A_105 = arith.constant 1.280000e+02 : f32
    %div3A_106 = vector.broadcast %div3A_105 : f32 to vector<1200x1xf32>
    %div3A_107 = arith.divf %broadcast_in_dim3A_104, %div3A_106 : vector<1200x1xf32>
    %jit3A_108 = arith.constant 0 : i32
    %reduce_sum3A_109 = arith.constant dense<0.000000e+00> : vector<1200xf32>
    %reduce_sum3A_110 = vector.multi_reduction <add>, %add3A_95, %reduce_sum3A_109 [1] : vector<1200x128xf32> to vector<1200xf32>
    %broadcast_in_dim3A_111 = vector.shape_cast %reduce_sum3A_110 : vector<1200xf32> to vector<1200x1xf32>
    %div3A_112 = arith.constant 1.280000e+02 : f32
    %div3A_113 = vector.broadcast %div3A_112 : f32 to vector<1200x1xf32>
    %div3A_114 = arith.divf %broadcast_in_dim3A_111, %div3A_113 : vector<1200x1xf32>
    %sub3A_115 = vector.broadcast %div3A_114 : vector<1200x1xf32> to vector<1200x128xf32>
    %sub3A_116 = arith.subf %add3A_95, %sub3A_115 : vector<1200x128xf32>
    %square3A_117 = arith.mulf %sub3A_116, %sub3A_116 : vector<1200x128xf32>
    %convert_element_type3A_118 = arith.sitofp %jit3A_108 : i32 to f32
    %sub3A_119 = arith.constant 1.280000e+02 : f32
    %sub3A_120 = arith.subf %sub3A_119, %convert_element_type3A_118 : f32
    %reduce_sum3A_121 = arith.constant dense<0.000000e+00> : vector<1200xf32>
    %reduce_sum3A_122 = vector.multi_reduction <add>, %square3A_117, %reduce_sum3A_121 [1] : vector<1200x128xf32> to vector<1200xf32>
    %broadcast_in_dim3A_123 = vector.shape_cast %reduce_sum3A_122 : vector<1200xf32> to vector<1200x1xf32>
    %div3A_124 = vector.broadcast %sub3A_120 : f32 to vector<1200x1xf32>
    %div3A_125 = arith.divf %broadcast_in_dim3A_123, %div3A_124 : vector<1200x1xf32>
    %gt3A_126 = arith.constant 0.000000e+00 : f32
    %gt3A_127 = arith.cmpf ogt, %sub3A_120, %gt3A_126 : f32
    %jit3A_128 = arith.constant 0x7FC00000 : f32
    %broadcast_in_dim3A_129 = vector.broadcast %jit3A_128 : f32 to vector<1200x1xf32>
    %select_n3A_130 = arith.select %gt3A_127, %div3A_125, %broadcast_in_dim3A_129 : vector<1200x1xf32>
    %sub3A_131 = vector.broadcast %div3A_107 : vector<1200x1xf32> to vector<1200x128xf32>
    %sub3A_132 = arith.subf %add3A_95, %sub3A_131 : vector<1200x128xf32>
    %add3A_133 = arith.constant 9.99999974E-6 : f32
    %add3A_134 = vector.broadcast %add3A_133 : f32 to vector<1200x1xf32>
    %add3A_135 = arith.addf %select_n3A_130, %add3A_134 : vector<1200x1xf32>
    %sqrt3A_136 = math.sqrt %add3A_135 : vector<1200x1xf32>
    %div3A_137 = vector.broadcast %sqrt3A_136 : vector<1200x1xf32> to vector<1200x128xf32>
    %div3A_138 = arith.divf %sub3A_132, %div3A_137 : vector<1200x128xf32>
    %mul3A_139 = vector.broadcast %get3A_98 : vector<1x128xf32> to vector<1200x128xf32>
    %mul3A_140 = arith.mulf %div3A_138, %mul3A_139 : vector<1200x128xf32>
    %add3A_141 = vector.broadcast %get3A_101 : vector<1x128xf32> to vector<1200x128xf32>
    %add3A_142 = arith.addf %mul3A_140, %add3A_141 : vector<1200x128xf32>
    %max3A_143 = arith.constant 0.000000e+00 : f32
    %max3A_144 = vector.broadcast %max3A_143 : f32 to vector<1200x128xf32>
    %max3A_145 = arith.maximumf %add3A_142, %max3A_144 : vector<1200x128xf32>
    %get3A_146 = arith.constant 0 : index
    %get3A_147 = arith.constant 0 : index
    %get3A_148 = vector.load %arg15[%get3A_146, %get3A_147] : memref<1x128xf32, #tpu.memory_space<vmem>>, vector<1x128xf32>
    %dot_general3A_149 = arith.constant dense<0.000000e+00> : vector<1200x128xf32>
    %dot_general3A_150 = tpu.matmul %get3A_19, %get3A_7, %dot_general3A_149 {dimension_numbers = #tpu.dot_dimension_numbers<[1], [0], [0], [1], [0, 0, 1, 1], [], []>, transpose_lhs_hint = false} : vector<1200x128xf32>, vector<128x128xf32>, vector<1200x128xf32> -> vector<1200x128xf32>
    %dot_general3A_151 = arith.constant dense<0.000000e+00> : vector<1200x128xf32>
    %dot_general3A_152 = tpu.matmul %max3A_145, %get3A_10, %dot_general3A_151 {dimension_numbers = #tpu.dot_dimension_numbers<[1], [0], [0], [1], [0, 0, 1, 1], [], []>, transpose_lhs_hint = false} : vector<1200x128xf32>, vector<128x128xf32>, vector<1200x128xf32> -> vector<1200x128xf32>
    %add3A_153 = arith.addf %dot_general3A_150, %dot_general3A_152 : vector<1200x128xf32>
    %add3A_154 = vector.broadcast %get3A_148 : vector<1x128xf32> to vector<1200x128xf32>
    %add3A_155 = arith.addf %add3A_153, %add3A_154 : vector<1200x128xf32>
    %logistic3A = arith.negf %add3A_155 : vector<1200x128xf32>
    %logistic3A_156 = math.exp %logistic3A : vector<1200x128xf32>
    %logistic3A_157 = arith.constant 1.000000e+00 : f32
    %logistic3A_158 = vector.broadcast %logistic3A_157 : f32 to vector<1200x128xf32>
    %logistic3A_159 = arith.addf %logistic3A_158, %logistic3A_156 : vector<1200x128xf32>
    %logistic3A_160 = arith.divf %logistic3A_158, %logistic3A_159 : vector<1200x128xf32>
    %mul3A_161 = arith.mulf %logistic3A_160, %get3A_19 : vector<1200x128xf32>
    %sub3A_162 = arith.constant 1.000000e+00 : f32
    %sub3A_163 = vector.broadcast %sub3A_162 : f32 to vector<1200x128xf32>
    %sub3A_164 = arith.subf %sub3A_163, %logistic3A_160 : vector<1200x128xf32>
    %mul3A_165 = arith.mulf %sub3A_164, %max3A_145 : vector<1200x128xf32>
    %add3A_166 = arith.addf %mul3A_161, %mul3A_165 : vector<1200x128xf32>
    %dot_general3A_167 = arith.constant dense<0.000000e+00> : vector<400x128xf32>
    %dot_general3A_168 = tpu.matmul %get3A_22, %get3A_7, %dot_general3A_167 {dimension_numbers = #tpu.dot_dimension_numbers<[1], [0], [0], [1], [0, 0, 1, 1], [], []>, transpose_lhs_hint = false} : vector<400x128xf32>, vector<128x128xf32>, vector<400x128xf32> -> vector<400x128xf32>
    %dot_general3A_169 = arith.constant dense<0.000000e+00> : vector<400x128xf32>
    %dot_general3A_170 = tpu.matmul %max3A_86, %get3A_10, %dot_general3A_169 {dimension_numbers = #tpu.dot_dimension_numbers<[1], [0], [0], [1], [0, 0, 1, 1], [], []>, transpose_lhs_hint = false} : vector<400x128xf32>, vector<128x128xf32>, vector<400x128xf32> -> vector<400x128xf32>
    %add3A_171 = arith.addf %dot_general3A_168, %dot_general3A_170 : vector<400x128xf32>
    %add3A_172 = vector.broadcast %get3A_148 : vector<1x128xf32> to vector<400x128xf32>
    %add3A_173 = arith.addf %add3A_171, %add3A_172 : vector<400x128xf32>
    %logistic3A_174 = arith.negf %add3A_173 : vector<400x128xf32>
    %logistic3A_175 = math.exp %logistic3A_174 : vector<400x128xf32>
    %logistic3A_176 = arith.constant 1.000000e+00 : f32
    %logistic3A_177 = vector.broadcast %logistic3A_176 : f32 to vector<400x128xf32>
    %logistic3A_178 = arith.addf %logistic3A_177, %logistic3A_175 : vector<400x128xf32>
    %logistic3A_179 = arith.divf %logistic3A_177, %logistic3A_178 : vector<400x128xf32>
    %mul3A_180 = arith.mulf %logistic3A_179, %get3A_22 : vector<400x128xf32>
    %sub3A_181 = arith.constant 1.000000e+00 : f32
    %sub3A_182 = vector.broadcast %sub3A_181 : f32 to vector<400x128xf32>
    %sub3A_183 = arith.subf %sub3A_182, %logistic3A_179 : vector<400x128xf32>
    %mul3A_184 = arith.mulf %sub3A_183, %max3A_86 : vector<400x128xf32>
    %add3A_185 = arith.addf %mul3A_180, %mul3A_184 : vector<400x128xf32>
    %get3A_186 = arith.constant 0 : index
    %get3A_187 = arith.constant 0 : index
    %get3A_188 = vector.load %arg16[%get3A_186, %get3A_187] : memref<1x128xf32, #tpu.memory_space<vmem>>, vector<1x128xf32>
    %get3A_189 = arith.constant 0 : index
    %get3A_190 = arith.constant 0 : index
    %get3A_191 = vector.load %arg17[%get3A_189, %get3A_190] : memref<1x128xf32, #tpu.memory_space<vmem>>, vector<1x128xf32>
    %get3A_192 = arith.constant 0 : index
    %get3A_193 = arith.constant 0 : index
    %get3A_194 = vector.load %arg18[%get3A_192, %get3A_193] : memref<1x128xf32, #tpu.memory_space<vmem>>, vector<1x128xf32>
    %dot_general3A_195 = arith.constant dense<0.000000e+00> : vector<1200x128xf32>
    %dot_general3A_196 = tpu.matmul %add3A_166, %get3A_13, %dot_general3A_195 {dimension_numbers = #tpu.dot_dimension_numbers<[1], [0], [0], [1], [0, 0, 1, 1], [], []>, transpose_lhs_hint = false} : vector<1200x128xf32>, vector<128x128xf32>, vector<1200x128xf32> -> vector<1200x128xf32>
    %dot_general3A_197 = arith.constant dense<0.000000e+00> : vector<1200x128xf32>
    %dot_general3A_198 = tpu.matmul %get3A_25, %get3A_16, %dot_general3A_197 {dimension_numbers = #tpu.dot_dimension_numbers<[1], [0], [0], [1], [0, 0, 1, 1], [], []>, transpose_lhs_hint = false} : vector<1200x128xf32>, vector<128x128xf32>, vector<1200x128xf32> -> vector<1200x128xf32>
    %add3A_199 = arith.addf %dot_general3A_196, %dot_general3A_198 : vector<1200x128xf32>
    %add3A_200 = vector.broadcast %get3A_188 : vector<1x128xf32> to vector<1200x128xf32>
    %add3A_201 = arith.addf %add3A_199, %add3A_200 : vector<1200x128xf32>
    %reduce_sum3A_202 = arith.constant dense<0.000000e+00> : vector<1200xf32>
    %reduce_sum3A_203 = vector.multi_reduction <add>, %add3A_201, %reduce_sum3A_202 [1] : vector<1200x128xf32> to vector<1200xf32>
    %broadcast_in_dim3A_204 = vector.shape_cast %reduce_sum3A_203 : vector<1200xf32> to vector<1200x1xf32>
    %div3A_205 = arith.constant 1.280000e+02 : f32
    %div3A_206 = vector.broadcast %div3A_205 : f32 to vector<1200x1xf32>
    %div3A_207 = arith.divf %broadcast_in_dim3A_204, %div3A_206 : vector<1200x1xf32>
    %jit3A_208 = arith.constant 0 : i32
    %reduce_sum3A_209 = arith.constant dense<0.000000e+00> : vector<1200xf32>
    %reduce_sum3A_210 = vector.multi_reduction <add>, %add3A_201, %reduce_sum3A_209 [1] : vector<1200x128xf32> to vector<1200xf32>
    %broadcast_in_dim3A_211 = vector.shape_cast %reduce_sum3A_210 : vector<1200xf32> to vector<1200x1xf32>
    %div3A_212 = arith.constant 1.280000e+02 : f32
    %div3A_213 = vector.broadcast %div3A_212 : f32 to vector<1200x1xf32>
    %div3A_214 = arith.divf %broadcast_in_dim3A_211, %div3A_213 : vector<1200x1xf32>
    %sub3A_215 = vector.broadcast %div3A_214 : vector<1200x1xf32> to vector<1200x128xf32>
    %sub3A_216 = arith.subf %add3A_201, %sub3A_215 : vector<1200x128xf32>
    %square3A_217 = arith.mulf %sub3A_216, %sub3A_216 : vector<1200x128xf32>
    %convert_element_type3A_218 = arith.sitofp %jit3A_208 : i32 to f32
    %sub3A_219 = arith.constant 1.280000e+02 : f32
    %sub3A_220 = arith.subf %sub3A_219, %convert_element_type3A_218 : f32
    %reduce_sum3A_221 = arith.constant dense<0.000000e+00> : vector<1200xf32>
    %reduce_sum3A_222 = vector.multi_reduction <add>, %square3A_217, %reduce_sum3A_221 [1] : vector<1200x128xf32> to vector<1200xf32>
    %broadcast_in_dim3A_223 = vector.shape_cast %reduce_sum3A_222 : vector<1200xf32> to vector<1200x1xf32>
    %div3A_224 = vector.broadcast %sub3A_220 : f32 to vector<1200x1xf32>
    %div3A_225 = arith.divf %broadcast_in_dim3A_223, %div3A_224 : vector<1200x1xf32>
    %gt3A_226 = arith.constant 0.000000e+00 : f32
    %gt3A_227 = arith.cmpf ogt, %sub3A_220, %gt3A_226 : f32
    %jit3A_228 = arith.constant 0x7FC00000 : f32
    %broadcast_in_dim3A_229 = vector.broadcast %jit3A_228 : f32 to vector<1200x1xf32>
    %select_n3A_230 = arith.select %gt3A_227, %div3A_225, %broadcast_in_dim3A_229 : vector<1200x1xf32>
    %sub3A_231 = vector.broadcast %div3A_207 : vector<1200x1xf32> to vector<1200x128xf32>
    %sub3A_232 = arith.subf %add3A_201, %sub3A_231 : vector<1200x128xf32>
    %add3A_233 = arith.constant 9.99999974E-6 : f32
    %add3A_234 = vector.broadcast %add3A_233 : f32 to vector<1200x1xf32>
    %add3A_235 = arith.addf %select_n3A_230, %add3A_234 : vector<1200x1xf32>
    %sqrt3A_236 = math.sqrt %add3A_235 : vector<1200x1xf32>
    %div3A_237 = vector.broadcast %sqrt3A_236 : vector<1200x1xf32> to vector<1200x128xf32>
    %div3A_238 = arith.divf %sub3A_232, %div3A_237 : vector<1200x128xf32>
    %mul3A_239 = vector.broadcast %get3A_191 : vector<1x128xf32> to vector<1200x128xf32>
    %mul3A_240 = arith.mulf %div3A_238, %mul3A_239 : vector<1200x128xf32>
    %add3A_241 = vector.broadcast %get3A_194 : vector<1x128xf32> to vector<1200x128xf32>
    %add3A_242 = arith.addf %mul3A_240, %add3A_241 : vector<1200x128xf32>
    %max3A_243 = arith.constant 0.000000e+00 : f32
    %max3A_244 = vector.broadcast %max3A_243 : f32 to vector<1200x128xf32>
    %max3A_245 = arith.maximumf %add3A_242, %max3A_244 : vector<1200x128xf32>
    %mul3A_246 = arith.constant 1.000000e-01 : f32
    %mul3A_247 = vector.broadcast %mul3A_246 : f32 to vector<1200x128xf32>
    %mul3A_248 = arith.mulf %mul3A_247, %max3A_245 : vector<1200x128xf32>
    %add3A_249 = arith.addf %add3A_166, %mul3A_248 : vector<1200x128xf32>
    %swap3A = arith.constant 0 : index
    %swap3A_250 = arith.constant 0 : index
    %swap3A_251 = vector.load %arg19[%swap3A, %swap3A_250] : memref<1200x128xf32, #tpu.memory_space<vmem>>, vector<1200x128xf32>
    tpu.vector_store %arg19[%swap3A, %swap3A_250], %add3A_249 {strides = array<i32>} : memref<1200x128xf32, #tpu.memory_space<vmem>>, vector<1200x128xf32>,
    %iota3A_252 = tpu.iota {dimensions = array<i32: 1>} : vector<8x1200xi32>
    %jit3A_253 = arith.constant 150 : i32
    %div3A_254 = vector.broadcast %jit3A_253 : i32 to vector<8x1200xi32>
    %div3A_255 = arith.divsi %iota3A_252, %div3A_254 : vector<8x1200xi32>
    %sign3A = arith.constant 0 : i32
    %sign3A_256 = vector.broadcast %sign3A : i32 to vector<8x1200xi32>
    %sign3A_257 = arith.cmpi sgt, %iota3A_252, %sign3A_256 : vector<8x1200xi32>
    %sign3A_258 = arith.extui %sign3A_257 : vector<8x1200xi1> to vector<8x1200xi32>
    %sign3A_259 = arith.constant 0 : i32
    %sign3A_260 = vector.broadcast %sign3A_259 : i32 to vector<8x1200xi32>
    %sign3A_261 = arith.cmpi slt, %iota3A_252, %sign3A_260 : vector<8x1200xi32>
    %sign3A_262 = arith.extui %sign3A_261 : vector<8x1200xi1> to vector<8x1200xi32>
    %sign3A_263 = arith.subi %sign3A_258, %sign3A_262 : vector<8x1200xi32>
    %sign3A_264 = arith.constant 0 : i32
    %sign3A_265 = arith.cmpi sgt, %jit3A_253, %sign3A_264 : i32
    %sign3A_266 = arith.extui %sign3A_265 : i1 to i32
    %sign3A_267 = arith.constant 0 : i32
    %sign3A_268 = arith.cmpi slt, %jit3A_253, %sign3A_267 : i32
    %sign3A_269 = arith.extui %sign3A_268 : i1 to i32
    %sign3A_270 = arith.subi %sign3A_266, %sign3A_269 : i32
    %ne3A = vector.broadcast %sign3A_270 : i32 to vector<8x1200xi32>
    %ne3A_271 = arith.cmpi ne, %sign3A_263, %ne3A : vector<8x1200xi32>
    %rem3A = vector.broadcast %jit3A_253 : i32 to vector<8x1200xi32>
    %rem3A_272 = arith.remsi %iota3A_252, %rem3A : vector<8x1200xi32>
    %ne3A_273 = arith.constant 0 : i32
    %ne3A_274 = vector.broadcast %ne3A_273 : i32 to vector<8x1200xi32>
    %ne3A_275 = arith.cmpi ne, %rem3A_272, %ne3A_274 : vector<8x1200xi32>
    %and3A = arith.andi %ne3A_271, %ne3A_275 : vector<8x1200xi1>
    %sub3A_276 = arith.constant 1 : i32
    %sub3A_277 = vector.broadcast %sub3A_276 : i32 to vector<8x1200xi32>
    %sub3A_278 = arith.subi %div3A_255, %sub3A_277 : vector<8x1200xi32>
    %select_n3A_279 = arith.select %and3A, %sub3A_278, %div3A_255 : vector<8x1200xi1>, vector<8x1200xi32>
    %iota3A_280 = tpu.iota {dimensions = array<i32: 0>} : vector<8x1200xi32>
    %eq3A_281 = arith.cmpi eq, %select_n3A_279, %iota3A_280 : vector<8x1200xi32>
    %convert_element_type3A_282 = arith.extui %eq3A_281 : vector<8x1200xi1> to vector<8x1200xi32>
    %convert_element_type3A_283 = arith.sitofp %convert_element_type3A_282 : vector<8x1200xi32> to vector<8x1200xf32>
    %mul3A_284 = arith.constant 0.00666666683 : f32
    %mul3A_285 = vector.broadcast %mul3A_284 : f32 to vector<8x1200xf32>
    %mul3A_286 = arith.mulf %convert_element_type3A_283, %mul3A_285 : vector<8x1200xf32>
    %dot_general3A_287 = arith.constant dense<0.000000e+00> : vector<8x128xf32>
    %dot_general3A_288 = tpu.matmul %mul3A_286, %get3A_25, %dot_general3A_287 {dimension_numbers = #tpu.dot_dimension_numbers<[1], [0], [0], [1], [0, 0, 1, 1], [], []>, transpose_lhs_hint = false} : vector<8x1200xf32>, vector<1200x128xf32>, vector<8x128xf32> -> vector<8x128xf32>
    %dot_general3A_289 = arith.constant dense<0.000000e+00> : vector<8x128xf32>
    %dot_general3A_290 = tpu.matmul %dot_general3A_288, %get3A_16, %dot_general3A_289 {dimension_numbers = #tpu.dot_dimension_numbers<[1], [0], [0], [1], [0, 0, 1, 1], [], []>, transpose_lhs_hint = false} : vector<8x128xf32>, vector<128x128xf32>, vector<8x128xf32> -> vector<8x128xf32>
    %iota3A_291 = tpu.iota {dimensions = array<i32: 0>} : vector<400x8xi32>
    %jit3A_292 = arith.constant 50 : i32
    %div3A_293 = vector.broadcast %jit3A_292 : i32 to vector<400x8xi32>
    %div3A_294 = arith.divsi %iota3A_291, %div3A_293 : vector<400x8xi32>
    %sign3A_295 = arith.constant 0 : i32
    %sign3A_296 = vector.broadcast %sign3A_295 : i32 to vector<400x8xi32>
    %sign3A_297 = arith.cmpi sgt, %iota3A_291, %sign3A_296 : vector<400x8xi32>
    %sign3A_298 = arith.extui %sign3A_297 : vector<400x8xi1> to vector<400x8xi32>
    %sign3A_299 = arith.constant 0 : i32
    %sign3A_300 = vector.broadcast %sign3A_299 : i32 to vector<400x8xi32>
    %sign3A_301 = arith.cmpi slt, %iota3A_291, %sign3A_300 : vector<400x8xi32>
    %sign3A_302 = arith.extui %sign3A_301 : vector<400x8xi1> to vector<400x8xi32>
    %sign3A_303 = arith.subi %sign3A_298, %sign3A_302 : vector<400x8xi32>
    %sign3A_304 = arith.constant 0 : i32
    %sign3A_305 = arith.cmpi sgt, %jit3A_292, %sign3A_304 : i32
    %sign3A_306 = arith.extui %sign3A_305 : i1 to i32
    %sign3A_307 = arith.constant 0 : i32
    %sign3A_308 = arith.cmpi slt, %jit3A_292, %sign3A_307 : i32
    %sign3A_309 = arith.extui %sign3A_308 : i1 to i32
    %sign3A_310 = arith.subi %sign3A_306, %sign3A_309 : i32
    %ne3A_311 = vector.broadcast %sign3A_310 : i32 to vector<400x8xi32>
    %ne3A_312 = arith.cmpi ne, %sign3A_303, %ne3A_311 : vector<400x8xi32>
    %rem3A_313 = vector.broadcast %jit3A_292 : i32 to vector<400x8xi32>
    %rem3A_314 = arith.remsi %iota3A_291, %rem3A_313 : vector<400x8xi32>
    %ne3A_315 = arith.constant 0 : i32
    %ne3A_316 = vector.broadcast %ne3A_315 : i32 to vector<400x8xi32>
    %ne3A_317 = arith.cmpi ne, %rem3A_314, %ne3A_316 : vector<400x8xi32>
    %and3A_318 = arith.andi %ne3A_312, %ne3A_317 : vector<400x8xi1>
    %sub3A_319 = arith.constant 1 : i32
    %sub3A_320 = vector.broadcast %sub3A_319 : i32 to vector<400x8xi32>
    %sub3A_321 = arith.subi %div3A_294, %sub3A_320 : vector<400x8xi32>
    %select_n3A_322 = arith.select %and3A_318, %sub3A_321, %div3A_294 : vector<400x8xi1>, vector<400x8xi32>
    %iota3A_323 = tpu.iota {dimensions = array<i32: 1>} : vector<400x8xi32>
    %eq3A_324 = arith.cmpi eq, %select_n3A_322, %iota3A_323 : vector<400x8xi32>
    %convert_element_type3A_325 = arith.extui %eq3A_324 : vector<400x8xi1> to vector<400x8xi32>
    %convert_element_type3A_326 = arith.sitofp %convert_element_type3A_325 : vector<400x8xi32> to vector<400x8xf32>
    %dot_general3A_327 = arith.constant dense<0.000000e+00> : vector<400x128xf32>
    %dot_general3A_328 = tpu.matmul %convert_element_type3A_326, %dot_general3A_290, %dot_general3A_327 {dimension_numbers = #tpu.dot_dimension_numbers<[1], [0], [0], [1], [0, 0, 1, 1], [], []>, transpose_lhs_hint = false} : vector<400x8xf32>, vector<8x128xf32>, vector<400x128xf32> -> vector<400x128xf32>
    %dot_general3A_329 = arith.constant dense<0.000000e+00> : vector<400x128xf32>
    %dot_general3A_330 = tpu.matmul %add3A_185, %get3A_13, %dot_general3A_329 {dimension_numbers = #tpu.dot_dimension_numbers<[1], [0], [0], [1], [0, 0, 1, 1], [], []>, transpose_lhs_hint = false} : vector<400x128xf32>, vector<128x128xf32>, vector<400x128xf32> -> vector<400x128xf32>
    %add3A_331 = arith.addf %dot_general3A_330, %dot_general3A_328 : vector<400x128xf32>
    %add3A_332 = vector.broadcast %get3A_188 : vector<1x128xf32> to vector<400x128xf32>
    %add3A_333 = arith.addf %add3A_331, %add3A_332 : vector<400x128xf32>
    %reduce_sum3A_334 = arith.constant dense<0.000000e+00> : vector<400xf32>
    %reduce_sum3A_335 = vector.multi_reduction <add>, %add3A_333, %reduce_sum3A_334 [1] : vector<400x128xf32> to vector<400xf32>
    %broadcast_in_dim3A_336 = vector.shape_cast %reduce_sum3A_335 : vector<400xf32> to vector<400x1xf32>
    %div3A_337 = arith.constant 1.280000e+02 : f32
    %div3A_338 = vector.broadcast %div3A_337 : f32 to vector<400x1xf32>
    %div3A_339 = arith.divf %broadcast_in_dim3A_336, %div3A_338 : vector<400x1xf32>
    %jit3A_340 = arith.constant 0 : i32
    %reduce_sum3A_341 = arith.constant dense<0.000000e+00> : vector<400xf32>
    %reduce_sum3A_342 = vector.multi_reduction <add>, %add3A_333, %reduce_sum3A_341 [1] : vector<400x128xf32> to vector<400xf32>
    %broadcast_in_dim3A_343 = vector.shape_cast %reduce_sum3A_342 : vector<400xf32> to vector<400x1xf32>
    %div3A_344 = arith.constant 1.280000e+02 : f32
    %div3A_345 = vector.broadcast %div3A_344 : f32 to vector<400x1xf32>
    %div3A_346 = arith.divf %broadcast_in_dim3A_343, %div3A_345 : vector<400x1xf32>
    %sub3A_347 = vector.broadcast %div3A_346 : vector<400x1xf32> to vector<400x128xf32>
    %sub3A_348 = arith.subf %add3A_333, %sub3A_347 : vector<400x128xf32>
    %square3A_349 = arith.mulf %sub3A_348, %sub3A_348 : vector<400x128xf32>
    %convert_element_type3A_350 = arith.sitofp %jit3A_340 : i32 to f32
    %sub3A_351 = arith.constant 1.280000e+02 : f32
    %sub3A_352 = arith.subf %sub3A_351, %convert_element_type3A_350 : f32
    %reduce_sum3A_353 = arith.constant dense<0.000000e+00> : vector<400xf32>
    %reduce_sum3A_354 = vector.multi_reduction <add>, %square3A_349, %reduce_sum3A_353 [1] : vector<400x128xf32> to vector<400xf32>
    %broadcast_in_dim3A_355 = vector.shape_cast %reduce_sum3A_354 : vector<400xf32> to vector<400x1xf32>
    %div3A_356 = vector.broadcast %sub3A_352 : f32 to vector<400x1xf32>
    %div3A_357 = arith.divf %broadcast_in_dim3A_355, %div3A_356 : vector<400x1xf32>
    %gt3A_358 = arith.constant 0.000000e+00 : f32
    %gt3A_359 = arith.cmpf ogt, %sub3A_352, %gt3A_358 : f32
    %jit3A_360 = arith.constant 0x7FC00000 : f32
    %broadcast_in_dim3A_361 = vector.broadcast %jit3A_360 : f32 to vector<400x1xf32>
    %select_n3A_362 = arith.select %gt3A_359, %div3A_357, %broadcast_in_dim3A_361 : vector<400x1xf32>
    %sub3A_363 = vector.broadcast %div3A_339 : vector<400x1xf32> to vector<400x128xf32>
    %sub3A_364 = arith.subf %add3A_333, %sub3A_363 : vector<400x128xf32>
    %add3A_365 = arith.constant 9.99999974E-6 : f32
    %add3A_366 = vector.broadcast %add3A_365 : f32 to vector<400x1xf32>
    %add3A_367 = arith.addf %select_n3A_362, %add3A_366 : vector<400x1xf32>
    %sqrt3A_368 = math.sqrt %add3A_367 : vector<400x1xf32>
    %div3A_369 = vector.broadcast %sqrt3A_368 : vector<400x1xf32> to vector<400x128xf32>
    %div3A_370 = arith.divf %sub3A_364, %div3A_369 : vector<400x128xf32>
    %mul3A_371 = vector.broadcast %get3A_191 : vector<1x128xf32> to vector<400x128xf32>
    %mul3A_372 = arith.mulf %div3A_370, %mul3A_371 : vector<400x128xf32>
    %add3A_373 = vector.broadcast %get3A_194 : vector<1x128xf32> to vector<400x128xf32>
    %add3A_374 = arith.addf %mul3A_372, %add3A_373 : vector<400x128xf32>
    %max3A_375 = arith.constant 0.000000e+00 : f32
    %max3A_376 = vector.broadcast %max3A_375 : f32 to vector<400x128xf32>
    %max3A_377 = arith.maximumf %add3A_374, %max3A_376 : vector<400x128xf32>
    %mul3A_378 = arith.constant 1.000000e-01 : f32
    %mul3A_379 = vector.broadcast %mul3A_378 : f32 to vector<400x128xf32>
    %mul3A_380 = arith.mulf %mul3A_379, %max3A_377 : vector<400x128xf32>
    %add3A_381 = arith.addf %add3A_185, %mul3A_380 : vector<400x128xf32>
    %swap3A_382 = arith.constant 0 : index
    %swap3A_383 = arith.constant 0 : index
    %swap3A_384 = vector.load %arg20[%swap3A_382, %swap3A_383] : memref<400x128xf32, #tpu.memory_space<vmem>>, vector<400x128xf32>
    tpu.vector_store %arg20[%swap3A_382, %swap3A_383], %add3A_381 {strides = array<i32>} : memref<400x128xf32, #tpu.memory_space<vmem>>, vector<400x128xf32>,
    return
  }
  func.func @transform_0(%arg0: i32) -> (i32, i32, i32) {
    %c0_i32 = arith.constant 0 : i32
    %c0_i32_0 = arith.constant 0 : i32
    %c0_i32_1 = arith.constant 0 : i32
    return %arg0, %c0_i32, %c0_i32_0 : i32, i32, i32
  }
  func.func @transform_1(%arg0: i32) -> (i32, i32) {
    %c0_i32 = arith.constant 0 : i32
    %c0_i32_0 = arith.constant 0 : i32
    return %arg0, %c0_i32 : i32, i32
  }
  func.func @transform_2(%arg0: i32) -> (i32, i32) {
    %c0_i32 = arith.constant 0 : i32
    %c0_i32_0 = arith.constant 0 : i32
    return %arg0, %c0_i32 : i32, i32
  }
  func.func @transform_3(%arg0: i32) -> (i32, i32) {
    %c0_i32 = arith.constant 0 : i32
    %c0_i32_0 = arith.constant 0 : i32
    return %arg0, %c0_i32 : i32, i32
  }
  func.func @transform_4(%arg0: i32) -> (i32, i32) {
    %c0_i32 = arith.constant 0 : i32
    %c0_i32_0 = arith.constant 0 : i32
    %c0_i32_1 = arith.constant 0 : i32
    return %c0_i32, %c0_i32_0 : i32, i32
  }
  func.func @transform_5(%arg0: i32) -> (i32, i32) {
    %c0_i32 = arith.constant 0 : i32
    %c0_i32_0 = arith.constant 0 : i32
    %c0_i32_1 = arith.constant 0 : i32
    return %c0_i32, %c0_i32_0 : i32, i32
  }
  func.func @transform_6(%arg0: i32) -> (i32, i32) {
    %c0_i32 = arith.constant 0 : i32
    %c0_i32_0 = arith.constant 0 : i32
    %c0_i32_1 = arith.constant 0 : i32
    return %c0_i32, %c0_i32_0 : i32, i32
  }
  func.func @transform_7(%arg0: i32) -> (i32, i32) {
    %c0_i32 = arith.constant 0 : i32
    %c0_i32_0 = arith.constant 0 : i32
    %c0_i32_1 = arith.constant 0 : i32
    return %c0_i32, %c0_i32_0 : i32, i32
  }
  func.func @transform_8(%arg0: i32) -> (i32, i32) {
    %c0_i32 = arith.constant 0 : i32
    %c0_i32_0 = arith.constant 0 : i32
    %c0_i32_1 = arith.constant 0 : i32
    return %c0_i32, %c0_i32_0 : i32, i32
  }
  func.func @transform_9(%arg0: i32) -> (i32, i32) {
    %c0_i32 = arith.constant 0 : i32
    %c0_i32_0 = arith.constant 0 : i32
    %c0_i32_1 = arith.constant 0 : i32
    return %c0_i32, %c0_i32_0 : i32, i32
  }
  func.func @transform_10(%arg0: i32) -> (i32, i32) {
    %c0_i32 = arith.constant 0 : i32
    %c0_i32_0 = arith.constant 0 : i32
    %c0_i32_1 = arith.constant 0 : i32
    return %c0_i32, %c0_i32_0 : i32, i32
  }
  func.func @transform_11(%arg0: i32) -> (i32, i32) {
    %c0_i32 = arith.constant 0 : i32
    %c0_i32_0 = arith.constant 0 : i32
    %c0_i32_1 = arith.constant 0 : i32
    return %c0_i32, %c0_i32_0 : i32, i32
  }
  func.func @transform_12(%arg0: i32) -> (i32, i32) {
    %c0_i32 = arith.constant 0 : i32
    %c0_i32_0 = arith.constant 0 : i32
    %c0_i32_1 = arith.constant 0 : i32
    return %c0_i32, %c0_i32_0 : i32, i32
  }
  func.func @transform_13(%arg0: i32) -> (i32, i32) {
    %c0_i32 = arith.constant 0 : i32
    %c0_i32_0 = arith.constant 0 : i32
    %c0_i32_1 = arith.constant 0 : i32
    return %c0_i32, %c0_i32_0 : i32, i32
  }
  func.func @transform_14(%arg0: i32) -> (i32, i32) {
    %c0_i32 = arith.constant 0 : i32
    %c0_i32_0 = arith.constant 0 : i32
    %c0_i32_1 = arith.constant 0 : i32
    return %c0_i32, %c0_i32_0 : i32, i32
  }
  func.func @transform_15(%arg0: i32) -> (i32, i32) {
    %c0_i32 = arith.constant 0 : i32
    %c0_i32_0 = arith.constant 0 : i32
    %c0_i32_1 = arith.constant 0 : i32
    return %c0_i32, %c0_i32_0 : i32, i32
  }
  func.func @transform_16(%arg0: i32) -> (i32, i32) {
    %c0_i32 = arith.constant 0 : i32
    %c0_i32_0 = arith.constant 0 : i32
    %c0_i32_1 = arith.constant 0 : i32
    return %c0_i32, %c0_i32_0 : i32, i32
  }
  func.func @transform_17(%arg0: i32) -> (i32, i32) {
    %c0_i32 = arith.constant 0 : i32
    %c0_i32_0 = arith.constant 0 : i32
    %c0_i32_1 = arith.constant 0 : i32
    return %c0_i32, %c0_i32_0 : i32, i32
  }
  func.func @transform_18(%arg0: i32) -> (i32, i32) {
    %c0_i32 = arith.constant 0 : i32
    %c0_i32_0 = arith.constant 0 : i32
    return %arg0, %c0_i32 : i32, i32
  }
  func.func @transform_19(%arg0: i32) -> (i32, i32) {
    %c0_i32 = arith.constant 0 : i32
    %c0_i32_0 = arith.constant 0 : i32
    return %arg0, %c0_i32 : i32, i32
  }
}

</mosaic_0001>

<sc_bundles>
// kernel: sparse-core-data-format-call.cloned.1.call-start
scs
called_computation_lowered:
.L_overlay_start_0:
0x0: {  	s2 =	sld [smem:$0x3FD9]  }
0x1: {  	s3 =	sld [smem:$0x3FFE];
	_ =	sdelay $0x1  }
0x2: {  	s1 =	srdreg.scid  }
0x3: {  	s0 =	sand.u32 $0x1, s1  }
0x4: {  	s15 =	sshll.u32 s0, $0xA;
	s2 =	sadd.s32 s3, s2  }
0x5: {  	s2 =	sadd.s32 s2, s15  }
0x6: {  	[smem:$0x3FB6] =	sst s2  }
0x7: {  	_ = 	snop  }
0x8: {  	s2 =	sld [smem:$0x3FD0];
	_ =	sdelay $0x2  }
0x9: {  	s16 =	simm.s32 $0xA;
	s4 =	simm.s32 $0x10  }
0xa: {  	[smem:s4], [sflag:s16] =	dma.local [hbm:s2], $0x1  }
0xb: {  	_ =	swait.eq [sflag:s16], $0x1  }
0xc: {  	[sflag:s16] =	ssyncset.done $0x0  }
0xd: {  	[sflag:s16] =	ssyncadd.s32 $0xFFFFFFFF  }
0xe: {  	s17 =	sld [smem:$0x10];
	(tm) =	ssettm $0x1  }
0xf: {  	s18 =	sld [smem:$0x3FFB];
	_ =	sdelay $0x3  }
0x10: {  	_ =	strace s18  }
0x11: {  	s3 =	sld [smem:$0x3FFC];
	_ =	sdelay $0x3  }
0x12: {  	_ =	strace s3  }
0x13: {  	s3 =	sld [smem:$0x3FFD];
	_ =	sdelay $0x3  }
0x14: {  	_ =	strace s3  }
0x15: {  	_ =	strace $0x8FFFFFFF  }
0x16: {  	s19 =	sld [smem:$0x3FDB];
	_ =	sdelay $0x1  }
0x17: {  	s20 =	simm.s32 $_scs_section_size  }
0x18: {  	s5 =	simm.s32 $_size__tile_overlayer_lowered;
	s6 =	simm.s32 $_tile_overlayer_lowered  }
0x19: {  	s23 =	simm.s32 $0x1BFF;
	s22 =	sshll.u32 s6, $0x1;
	s3 =	sadd.s32 s20, s19  }
0x1a: {  	s7 =	simm.s32 $0x0;
	s21 =	sshll.u32 s5, $0x1;
	s5 =	sadd.s32 s22, s3  }
0x1b: {  	[timem:s7], [sflag:s23] =	dma.local [hbm:s5], s21  }
0x1c: {  	_ =	swait.ge [sflag:s23], s21  }
0x1d: {  	s4 =	ssub.s32 $0x0, s21;
	[sflag:s23] =	ssyncset.done $0x0  }
0x1e: {  	[sflag:s23] =	ssyncadd.s32 s4;
	_ =	sdelay $0x1  }
0x1f: {  	s24 =	simm.s32 $0x1B8B  }
0x20: {  	_ =	swait.ge [sflag:s24], $0x1  }
0x21: {  	[sflag:s24] =	ssyncset.done $0x0  }
0x22: {  	s26 =	simm.s32 $0x1B8E;
	s25 =	sld [smem:$0x3FFE];
	[sflag:s24] =	ssyncadd.s32 $0xFFFFFFFF  }
0x23: {  	s27 =	simm.s32 $execute0_lowered;
	[smem:$0x3FD2] =	sst s26  }
0x24: {  	s5 =	sshll.u32 s27, $0x1;
	_ =	strace $0x80000046;
	[dreg:$0x1] =	wrdreg $0xFFFFFFFF  }
0x25: {  	s28 =	simm.s32 $_size_execute0_lowered;
	s3 =	sadd.s32 s3, s5;
	[dreg:$0x0] =	wrdreg $0x0  }
0x26: {  	s5 =	sshll.u32 s28, $0x1;
	[dreg:$0x2] =	wrdreg s3  }
0x27: {  	[dreg:$0x3] =	wrdreg s5  }
0x28: {  	[dreg:$0x4] =	wrdreg $0xC0  }
0x29: {  	_ =	task [dreg:s7], $0x5FFFF  }
0x2a: {  	[dreg:$0x1] =	wrdreg $0xFFFFFFFF  }
0x2b: {  	[dreg:$0x0] =	wrdreg $0x60  }
0x2c: {  	[dreg:$0x2] =	wrdreg s25  }
0x2d: {  	[dreg:$0x3] =	wrdreg s17  }
0x2e: {  	[dreg:$0x4] =	wrdreg $0x9  }
0x2f: {  	_ =	task.clear_ibuf [dreg:s7], $0x5FFFF;
	_ =	strace $0x90000046  }
0x30: {  	s29 =	simm.s32 $0x9;
	_ =	strace $0x80000048  }
0x31: {  	_ =	swait.ge [sflag:s29], $0x1  }
0x32: {  	[sflag:s29] =	ssyncadd.s32 $0xFFFFFFFF  }
0x33: {  	_ =	strace $0x90000048  }
0x34: {  	_ =	sfence  }
0x35: {  	s30 =	sld [smem:$0x0];
	_ =	sdelay $0x2  }
0x36: {  	s31 =	sshll.u32 s1, $0xD;
	s1 =	sshrl.u32 s1, $0x2  }
0x37: {  	s3 =	sand.u32 $0x4000, s31;
	s1 =	sadd.s32 s1, s30  }
0x38: {  	s0 =	sor.u32 s3, s0;
	s1 =	sshll.u32 s1, $0x11  }
0x39: {  	s0 =	sor.u32 s1, s0  }
0x3a: {  	s0 =	sadd.s32 $0x8F2B, s0  }
0x3b: {  	[sflag:s0] =	ssyncadd.remote.s32 $0x1  }
0x3c: {  	_ =	sfence.sel $0xFFFF  }
0x3d: {  	[dreg:$0x0] =	wrdreg $0xFFFFFFFF;
	(pc) =	sbr.abs _section_cstart, $3  }
0x3e: {  	[dreg:$0x1] =	wrdreg $0xFFFFFFFF  }
0x3f: {  	_ =	task.clear_ibuf [dreg:s7], $0x2FFFF;
	_ =	strace $0x9FFFFFFF  }
0x40: {  	(tm) =	ssettm $0x7FFFFFFF  }
0x41: {  	_ =	shalt  }
tec
execute0_lowered:
.L_overlay_start_1:
0x0: {  	(tag) =	ssettag $0x1  }
0x1: {  	s7 =	rddreg [dreg:$0x0];
	s0 =	stileid.u32  }
0x2: {  	s2 =	rddreg [dreg:$0x1];
	s4 =	srdreg.scid  }
0x3: {  	s1 =	rddreg [dreg:$0x2];
	_ =	strace $0x80000047;
	s9 =	simm.s32 $0x26  }
0x4: {  	s31 =	simm.s32 $0x2;
	s14 =	simm.s32 $0x0;
	s3 =	sshll.u32 s0, $0x6  }
0x5: {  	s10 =	simm.s32 $0x20000;
	s4 =	sshll.u32 s4, $0x1;
	s5 =	ssub.s32 $0x400, s3  }
0x6: {  	s15 =	simm.s32 $0x0;
	s4 =	sand.u32 $0x2, s4;
	s6 =	sand.u32 $0x3C0, s5  }
0x7: {  	s8 =	sshrl.u32 s5, $0xA;
	p0 =	sne.s32 s6, $0x0;
	s6 =	simm.s32 $0x1  }
.Ltmp0:
0x8: {  	s6 =	simm.s32 @!p0 $0x0;
	p0 =	seq.s32 s4, $0x0;
	(pc) =	sbr.rel .LBB1_1-.Ltmp0, $4  }
0x9: {  	s13 =	simm.s32 $0x0;
	s6 =	sadd.s32 s6, s8;
	s9 =	simm.s32 @!p0 $0x25  }
0xa: {  	s7 =	sadd.s32 $0x25A400, s7;
	s5 =	simm.s32 $0x1;
	s6 =	smul.u32 s9, s6  }
0xb: {  	s12 =	smov.u32 s3;
	s11 =	smov.u32 s4;
	[sflag:s5] =	ssyncpa.u1 $0x0  }
0xc: {  	[sflag:s31] =	ssyncpa.u1 $0x0;
	s9 =	simm.s32 $0x2000;
	s8 =	sadd.s32 $0x1, s6  }
.LBB1_7:
0xd: {  	s16 =	sadd.s32 $0x4, s11  }
0xe: {  	s14 =	sadd.s32 $0x400, s12;
	s18 =	smov.u32 s12;
	p1 =	sgt.s32 s16, $0x95  }
0xf: {  	s18 =	smov.u32 @p1 s14  }
0x10: {  	s16 =	smov.u32 @p1 s4;
	p1 =	sgt.s32 s18, $0x3FF  }
0x11: {  	s18 =	smov.u32 @p1 s3;
	p1 =	sne.s32 s13, s8  }
.Ltmp1:
0x12: {  	p0 =	slt.u32 s13, $0x2;
	(pc) =	sbr.rel @!p1 .LBB1_8-.Ltmp1, $4  }
0x13: {  	s17 =	simm.s32 @!p0 $0x2  }
0x14: {  	s15 =	smov.u32 s12;
	_ =	swait.ge @!p0 [sflag:s17], $0x4000  }
0x15: {  	s14 =	smov.u32 s11;
	[sflag:s17] =	ssyncset.done @!p0 $0x0;
	s11 =	smov.u32 s16  }
0x16: {  	s13 =	sadd.s32 $0x1, s13;
	[sflag:s17] =	ssyncadd.s32 @!p0 $0xFFFFC000;
	s12 =	smov.u32 s18  }
.LBB1_1:
0x17: {  	p0 =	sge.u32 s13, s6  }
0x18: {  	s16 =	sand.u32 @!p0 $0x1FFFFFF, s11  }
0x19: {  	s17 =	smulhi.u32 @!p0 $0x1AF286C, s16;
	_ =	sdelay $0x1  }
0x1a: {  	s17 =	smul.u32 @!p0 $0x98, s17  }
0x1b: {  	s18 =	sxor.u32 @!p0 $0xFFFFFFFF, s13;
	s19 =	smul.u32 @!p0 $0x980, s12  }
0x1c: {  	s31 =	sadd.s32 $0xFFFFFFFF, s13;
	s18 =	sshll.u32 @!p0 s18, $0xE;
	s16 =	ssub.s32 @!p0 s16, s17  }
0x1d: {  	s17 =	sand.u32 @!p0 $0x4000, s18;
	s18 =	sadd.s32 @!p0 s7, s19;
	s16 =	sshll.u32 @!p0 s16, $0x4  }
0x1e: {  	s19 =	simm.s32 @!p0 $0x4C00;
	s16 =	sadd.s32 @!p0 s16, s18;
	s18 =	simm.s32 @!p0 $0x100  }
0x1f: {  	[tilespmem:s17], [sflag:$0x1] =	stream.strided.gather @!p0 [hbm4b:s16+s18], $0x4000, s19, s18, $0x38;
	[tilespmem:$0x10000] =	vst v63  }
0x20: {  	p0 =	sge.u32 s31, s6  }
.Ltmp2:
0x21: {  	_ = 	snop;
	(pc) =	sbr.rel @p0 .LBB1_7-.Ltmp2, $1  }
0x22: {  	_ =	sdelay $0x3  }
0x23: {  	_ =	swait.ge [sflag:s5], $0x4000;
	s16 =	sshll.u32 s13, $0xE  }
0x24: {  	[sflag:s5] =	ssyncset.done $0x0;
	s17 =	sand.u32 $0x4000, s16  }
0x25: {  	s18 =	simm.s32 $0x0;
	[sflag:s5] =	ssyncadd.s32 $0xFFFFC000;
	s16 =	sor.u32 $0x8000, s17  }
.LBB1_3:
0x26: {  	s19 =	sshll.u32 s18, $0x8  }
0x27: {  	s19 =	sand.u32 $0x3FFFFF00, s19  }
0x28: {  	s20 =	sshll.u32 s18, $0x7;
	s19 =	sadd.s32 s19, s17  }
0x29: {  	s20 =	sand.u32 $0x3FFFFF80, s20;
	v0 =	vmov s19  }
0x2a: {  	s20 =	sadd.s32 s20, s16  }
0x2b: {  	p0 =	por $0x1, $0x1;
	v1 =	vmov s20;
	s19 =	simm.s32 $0x0  }
.LBB1_4:
0x2c: {  	s20 =	sshll.u32 s19, $0x7  }
0x2d: {  	s20 =	sand.u32 $0x3FFFFF80, s20  }
0x2e: {  	v2 =	vld.idx.msk [tilespmem:v0+s20+$0x0 ss:$0x1], $0xffff  }
0x2f: {  	v3 =	vld.idx.msk [tilespmem:v0+s20+$0x10 ss:$0x1], $0xffff  }
0x30: {  	v4 =	vld.idx.msk [tilespmem:v0+s20+$0x20 ss:$0x1], $0xffff  }
0x31: {  	s31 =	sshll.u32 s19, $0xD;
	v5 =	vld.idx.msk [tilespmem:v0+s20+$0x30 ss:$0x1], $0xffff  }
0x32: {  	s19 =	sand.u32 $0x3FFFE000, s31;
	v6 =	vld.idx.msk [tilespmem:v0+s20+$0x40 ss:$0x1], $0xffff  }
0x33: {  	v63 =	vld.idx.msk [tilespmem:v0+s20+$0x70 ss:$0x1], $0xffff;
	[tilespmem:v1+s19+$0x0 ss:$0x1] =	vst.idx.msk $0xffff, v2  }
0x34: {  	v2 =	vld.idx.msk [tilespmem:v0+s20+$0x50 ss:$0x1], $0xffff;
	[tilespmem:v1+s19+$0x10 ss:$0x1] =	vst.idx.msk $0xffff, v3  }
0x35: {  	p1 =	por p0, p0;
	v3 =	vld.idx.msk [tilespmem:v0+s20+$0x60 ss:$0x1], $0xffff;
	[tilespmem:v1+s19+$0x20 ss:$0x1] =	vst.idx.msk $0xffff, v4  }
.Ltmp3:
0x36: {  	[tilespmem:v1+s19+$0x30 ss:$0x1] =	vst.idx.msk $0xffff, v5;
	(pc) =	sbr.rel @p1 .LBB1_4-.Ltmp3, $4  }
0x37: {  	[tilespmem:v1+s19+$0x40 ss:$0x1] =	vst.idx.msk $0xffff, v6  }
0x38: {  	[tilespmem:v1+s19+$0x70 ss:$0x1] =	vst.idx.msk $0xffff, v63  }
0x39: {  	[tilespmem:v1+s19+$0x50 ss:$0x1] =	vst.idx.msk $0xffff, v2  }
0x3a: {  	p0 =	por $0x0, $0x0;
	[tilespmem:v1+s19+$0x60 ss:$0x1] =	vst.idx.msk $0xffff, v3;
	s19 =	simm.s32 $0x1  }
0x3b: {  	s18 =	sadd.s32 $0x1, s18  }
0x3c: {  	p0 =	sne.s32 s18, $0x40  }
.Ltmp4:
0x3d: {  	_ = 	snop;
	(pc) =	sbr.rel @p0 .LBB1_3-.Ltmp4, $1  }
0x3e: {  	_ =	sdelay $0x3  }
.Ltmp5:
0x3f: {  	s15 =	sshll.u32 s15, $0x4;
	(pc) =	sbr.rel .LBB1_7-.Ltmp5, $4  }
0x40: {  	s15 =	sand.u32 $0x3FF0, s15  }
0x41: {  	s14 =	sshll.u32 s14, $0xE;
	s15 =	sadd.s32 s2, s15  }
0x42: {  	s14 =	sadd.s32 s14, s15  }
0x43: {  	[hbm4b:s14+s9] =	stream.strided.scatter [tilespmem:s16], [sflag:$0x2], $0x4000, s10, s9, $0x38;
	[tilespmem:$0x10000] =	vst v63  }
.LBB1_8:
0x44: {  	_ =	sfence.sel $0x180000  }
0x45: {  	s2 =	simm.s32 $0x1;
	[bflag:$0x0] =	sbarrier.arrive $0xFFFF  }
0x46: {  	s31 =	simm.s32 $0x2;
	[sflag:s2] =	ssyncpa.u1 $0x1  }
0x47: {  	[sflag:s31] =	ssyncpa.u1 $0x1  }
0x48: {  	p0 =	sne.s32 s0, $0x0;
	_ =	strace $0x90000047  }
0x49: {  	s0 =	sadd.s32 @!p0 $0x100000, s1;
	[bflag:$0x2] =	sbarrier.arrive $0xFFFF  }
0x4a: {  	[sflag:s0] =	ssyncadd.tile.s32 @!p0 $0x1;
	_ =	shalt  }
.Lfunc_end1:
_tile_overlayer_lowered:
.L_overlay_start_2:
0x4b: {  	(tag) =	ssettag $0x2  }
0x4c: {  	s0 =	rddreg [dreg:$0x0];
	s2 =	stileid.u32  }
0x4d: {  	s1 =	rddreg [dreg:$0x1];
	p0 =	sne.s32 s2, $0x0  }
0x4e: {  	s3 =	rddreg [dreg:$0x2];
	[bflag:$0x3] =	sbarrier.arrive $0xFFFF;
	s2 =	simm.s32 @!p0 $0x1C01  }
0x4f: {  	[timem:s3], [sflag:s2] =	dma.local @!p0 [hbm:s0], s1  }
0x50: {  	s0 =	simm.s32 @!p0 $0x1  }
0x51: {  	_ =	swait.ge @!p0 [sflag:s0], s1  }
0x52: {  	s1 =	ssub.s32 @!p0 $0x0, s1;
	[sflag:s0] =	ssyncset.done @!p0 $0x0  }
0x53: {  	[sflag:s0] =	ssyncadd.s32 @!p0 s1  }
0x54: {  	[bflag:$0x3] =	sbarrier.arrive $0xFFFF  }
0x55: {  	_ =	shalt  }

</sc_bundles>
